<compile_context>
chip_gen: v7x
topology: tpu7x:2x2x1
jax: 0.10.2.dev20260603
libtpu: 0.0.44.dev20260713+nightly
codegen_flags: <defaults>
</compile_context>

<pallas_src>
import functools

import jax
import jax.numpy as jnp
from jax import lax
from jax.experimental import pallas as pl
from jax.experimental.pallas import tpu as pltpu
from jax.experimental.pallas import tpu_sc as plsc

N = 4800
D = 256
K = 8192
RB = 480
NBLK = N // RB

NW = 32
NBIG = 24
C1, C2A, C2B = 128, 24, 16


def _tc_body(x_ref, w_ref, idx_ref, scal_ref, wb_ref, w2_ref, acc_ref):
    b = pl.program_id(0)
    x = x_ref[...]

    @pl.when(b == 0)
    def _():
        w = w_ref[...]
        w2_ref[...] = jnp.sum(w * w, axis=1)[None, :]
        wb_ref[...] = w.astype(jnp.bfloat16)

    x2 = jnp.sum(x * x, axis=1, keepdims=True)
    w2 = w2_ref[...]
    xb = x.astype(jnp.bfloat16)
    xw = lax.dot_general(xb, wb_ref[...], (((1,), (1,)), ((), ())),
                         preferred_element_type=jnp.float32)
    dist = x2 + w2 - 2.0 * xw

    iota = lax.broadcasted_iota(jnp.int32, (1, K), 1).astype(jnp.float32)
    inf = jnp.float32(jnp.inf)

    m1 = jnp.min(dist, axis=1, keepdims=True)
    c1 = dist == m1
    i1 = jnp.min(jnp.where(c1, iota, jnp.float32(K)), axis=1)
    d2 = jnp.where(c1, inf, dist)
    m2 = jnp.min(d2, axis=1, keepdims=True)
    m3 = jnp.min(jnp.where(d2 == m2, inf, d2), axis=1)

    idx_ref[0, 0, :] = i1.astype(jnp.int32)
    s1 = jnp.sum(m1)
    s3 = jnp.sum(m3)

    @pl.when(b == 0)
    def _():
        acc_ref[0] = 0.0
        acc_ref[1] = 0.0

    acc_ref[0] += s1
    acc_ref[1] += s3

    @pl.when(b == NBLK - 1)
    def _():
        S1 = acc_ref[0]
        S3 = acc_ref[1]
        scal_ref[0] = 1.0 - jnp.sqrt(S1) / jnp.sqrt(S3)
        scal_ref[1] = 0.25 * S1 / jnp.float32(N * D)


def _tc_call(x, W):
    return pl.pallas_call(
        _tc_body,
        grid=(NBLK,),
        in_specs=[
            pl.BlockSpec((RB, D), lambda b: (b, 0)),
            pl.BlockSpec((K, D), lambda b: (0, 0)),
        ],
        out_specs=[
            pl.BlockSpec((1, 1, RB), lambda b: (b, 0, 0)),
            pl.BlockSpec(memory_space=pltpu.SMEM),
        ],
        out_shape=[
            jax.ShapeDtypeStruct((NBLK, 1, RB), jnp.int32),
            jax.ShapeDtypeStruct((2,), jnp.float32),
        ],
        scratch_shapes=[pltpu.VMEM((K, D), jnp.bfloat16),
                        pltpu.VMEM((1, K), jnp.float32),
                        pltpu.SMEM((2,), jnp.float32)],
    )(x, W)


def _sc_gather_body(w_hbm, idx_hbm, out_hbm,
                    idx_a, idx_b24, idx_b16, rows_a, rows_b24, rows_b16, sem):
    wid = lax.axis_index("s") * 2 + lax.axis_index("c")
    big = wid < NBIG
    base = pl.multiple_of(
        jnp.where(big, (C1 + C2A) * wid,
                  NBIG * (C1 + C2A) + (C1 + C2B) * (wid - NBIG)), 8)
    pltpu.sync_copy(idx_hbm.at[pl.ds(base, C1)], idx_a)
    pltpu.async_copy(w_hbm.at[idx_a], rows_a, sem).wait()
    pltpu.sync_copy(rows_a, out_hbm.at[pl.ds(base, C1)])

    @pl.when(big)
    def _():
        pltpu.sync_copy(idx_hbm.at[pl.ds(base + C1, C2A)], idx_b24)
        pltpu.async_copy(w_hbm.at[idx_b24], rows_b24, sem).wait()
        pltpu.sync_copy(rows_b24, out_hbm.at[pl.ds(base + C1, C2A)])

    @pl.when(jnp.logical_not(big))
    def _():
        pltpu.sync_copy(idx_hbm.at[pl.ds(base + C1, C2B)], idx_b16)
        pltpu.async_copy(w_hbm.at[idx_b16], rows_b16, sem).wait()
        pltpu.sync_copy(rows_b16, out_hbm.at[pl.ds(base + C1, C2B)])


def _sc_gather(W, idx):
    mesh = plsc.VectorSubcoreMesh(core_axis_name="c", subcore_axis_name="s")
    k = functools.partial(
        pl.kernel,
        mesh=mesh,
        out_type=jax.ShapeDtypeStruct((N, D), jnp.float32),
        scratch_types=[
            pltpu.VMEM((C1,), jnp.int32),
            pltpu.VMEM((C2A,), jnp.int32),
            pltpu.VMEM((C2B,), jnp.int32),
            pltpu.VMEM((C1, D), jnp.float32),
            pltpu.VMEM((C2A, D), jnp.float32),
            pltpu.VMEM((C2B, D), jnp.float32),
            pltpu.SemaphoreType.DMA,
        ],
    )(_sc_gather_body)
    return k(W, idx)


def kernel(IP_score, W):
    x = IP_score.reshape(N, D)
    idx3, scal = _tc_call(x, W)
    rows = _sc_gather(W, idx3.reshape(N))
    return scal[0], scal[1], rows.reshape(IP_score.shape)

# --- scband reference (transcript-rebuilt; emitter-appended) ---
"""Pipeline reference for scband-cp-34041910788864 (READ-ONLY COPY).

The authoritative reference and input builder live on the scoring server;
editing this copy changes nothing except your own understanding.
"""

import jax, jax.numpy as jnp
import numpy as np

BS, KPTS, SEQ = 64, 75, 256
K = 8192

def setup_inputs(seed: int = 0) -> dict:
    key = jax.random.key(seed)
    k1, k2 = jax.random.split(key)
    IP_score = jax.random.normal(k1, (BS, KPTS, SEQ), dtype=jnp.float32)
    # learned codebook (nn.Embedding weight, initialized normal_())
    W = jax.random.normal(k2, (K, SEQ), dtype=jnp.float32)
    return {"IP_score": IP_score, "W": W}

def reference(IP_score, W):
    bs, kpts, seq = IP_score.shape
    inputs = IP_score.reshape(bs, kpts // 3, 3, seq)
    input_shape = inputs.shape
    flat_input = inputs.reshape(-1, seq)
    # squared L2 distances to all codebook entries
    distances = (jnp.sum(flat_input ** 2, axis=1, keepdims=True)
                 + jnp.sum(W ** 2, axis=1)
                 - 2.0 * (flat_input @ W.T))
    encoding_indices = jnp.argmin(distances, axis=1)
    encodings = jax.nn.one_hot(encoding_indices, K, dtype=jnp.float32)
    coding_idx = jnp.argsort(distances, axis=1)
    second_idx = coding_idx[:, 2]
    second = jax.nn.one_hot(second_idx, K, dtype=jnp.float32)
    quantized = (encodings @ W).reshape(input_shape)
    second_quantized = (second @ W).reshape(input_shape)
    # eval-mode: skip EMA buffer updates (they do not affect this step's outputs)
    e_latent_loss = jnp.mean((jax.lax.stop_gradient(quantized) - inputs) ** 2)
    k_loss = 0.25 * e_latent_loss
    quantized_st = inputs + jax.lax.stop_gradient(quantized - inputs)
    second_st = inputs + jax.lax.stop_gradient(second_quantized - inputs)
    feature_EMA = quantized_st.reshape(bs, kpts, seq)
    sec_EMA = second_st.reshape(bs, kpts, seq)
    cp_score = 1.0 - jnp.linalg.norm(feature_EMA - IP_score) / jnp.linalg.norm(sec_EMA - IP_score)
    return (cp_score, k_loss, feature_EMA)

if __name__ == "__main__":
    import jax
    _d = setup_inputs()
    print(jax.jit(kernel)(*tuple(_d.values())))

</pallas_src>

<mosaic_0001>
#map = affine_map<(d0, d1) -> (0, 0)>
#map1 = affine_map<(d0, d1) -> (0)>
module attributes {stable_mosaic.version = 14 : i64} {
  func.func @_sc_gather_body(%arg0: i32, %arg1: i32, %arg2: memref<8192x256xf32, #tpu.memory_space<hbm>>, %arg3: memref<4800xi32, #tpu.memory_space<hbm>>, %arg4: memref<4800x256xf32, #tpu.memory_space<hbm>>, %arg5: memref<128xi32, #tpu.memory_space<vmem>>, %arg6: memref<24xi32, #tpu.memory_space<vmem>>, %arg7: memref<16xi32, #tpu.memory_space<vmem>>, %arg8: memref<128x256xf32, #tpu.memory_space<vmem>>, %arg9: memref<24x256xf32, #tpu.memory_space<vmem>>, %arg10: memref<16x256xf32, #tpu.memory_space<vmem>>, %arg11: memref<!tpu.dma_semaphore, #tpu.memory_space<semaphore_mem>>) attributes {dimension_semantics = [#tpu.dimension_semantics<core_parallel>, #tpu.dimension_semantics<subcore_parallel>], iteration_bounds = array<i64: 2, 16>, scalar_prefetch = 0 : i64, scratch_operands = 7 : i64, tpu.core_type = #tpu.core_type<sc_vector_subcore>, window_params = [{transform_indices = #map}, {transform_indices = #map1}, {transform_indices = #map}]} {
    %mul3A = arith.constant 2 : i32
    %mul3A_0 = arith.muli %arg1, %mul3A : i32
    %add3A = arith.addi %mul3A_0, %arg0 : i32
    %lt3A = arith.constant 24 : i32
    %lt3A_1 = arith.cmpi slt, %add3A, %lt3A : i32
    %mul3A_2 = arith.constant 152 : i32
    %mul3A_3 = arith.muli %mul3A_2, %add3A : i32
    %sub3A = arith.constant 24 : i32
    %sub3A_4 = arith.subi %add3A, %sub3A : i32
    %mul3A_5 = arith.constant 144 : i32
    %mul3A_6 = arith.muli %mul3A_5, %sub3A_4 : i32
    %add3A_7 = arith.constant 3648 : i32
    %add3A_8 = arith.addi %add3A_7, %mul3A_6 : i32
    %select_n3A = arith.select %lt3A_1, %mul3A_3, %add3A_8 : i32
    %multiple_of3A = tpu.assume_multiple %select_n3A, 8 : i32
    "tpu.region"() ({
      %run_scoped3A = tpu.sem_alloc : memref<!tpu.dma_semaphore, #tpu.memory_space<semaphore_mem>>
      %dma_start3A_18 = tpu.memref_slice %arg3[%multiple_of3A] : memref<4800xi32, #tpu.memory_space<hbm>> -> memref<128xi32, #tpu.memory_space<hbm>>
      %dma_start3A_19 = tpu.memref_slice %arg3[%multiple_of3A] : memref<4800xi32, #tpu.memory_space<hbm>> -> memref<128xi32, #tpu.memory_space<hbm>>
      tpu.enqueue_dma source(%dma_start3A_19 : memref<128xi32, #tpu.memory_space<hbm>>) target(%arg5 : memref<128xi32, #tpu.memory_space<vmem>>) target_semaphore(%run_scoped3A : memref<!tpu.dma_semaphore, #tpu.memory_space<semaphore_mem>>)
      %dma_wait3A_20 = tpu.memref_slice %arg3[%multiple_of3A] : memref<4800xi32, #tpu.memory_space<hbm>> -> memref<128xi32, #tpu.memory_space<hbm>>
      %dma_wait3A_21 = tpu.memref_slice %arg3[%multiple_of3A] : memref<4800xi32, #tpu.memory_space<hbm>> -> memref<128xi32, #tpu.memory_space<hbm>>
      tpu.wait_dma2 semaphore(%run_scoped3A : memref<!tpu.dma_semaphore, #tpu.memory_space<semaphore_mem>>) src(%dma_wait3A_21 : memref<128xi32, #tpu.memory_space<hbm>>) dst(%arg5 : memref<128xi32, #tpu.memory_space<vmem>>)
      tpu.yield
    }) : () -> ()
    %dma_start3A = arith.constant 0 : i32
    %dma_start3A_9 = arith.constant 0 : i32
    %dma_start3A_10 = tpu.memref_slice %arg2[%dma_start3A, %dma_start3A_9] : memref<8192x256xf32, #tpu.memory_space<hbm>> -> memref<8192x256xf32, #tpu.memory_space<hbm>>
    tpu.enqueue_indirect_dma source(%dma_start3A_10 : memref<8192x256xf32, #tpu.memory_space<hbm>>) target(%arg8 : memref<128x256xf32, #tpu.memory_space<vmem>>) offsets(%arg5 : memref<128xi32, #tpu.memory_space<vmem>>) semaphore(%arg11 : memref<!tpu.dma_semaphore, #tpu.memory_space<semaphore_mem>>)
    %dma_wait3A = arith.constant 0 : i32
    %dma_wait3A_11 = arith.constant 0 : i32
    %dma_wait3A_12 = tpu.memref_slice %arg2[%dma_wait3A, %dma_wait3A_11] : memref<8192x256xf32, #tpu.memory_space<hbm>> -> memref<8192x256xf32, #tpu.memory_space<hbm>>
    tpu.wait_indirect_dma semaphore(%arg11 : memref<!tpu.dma_semaphore, #tpu.memory_space<semaphore_mem>>) src(%dma_wait3A_12 : memref<8192x256xf32, #tpu.memory_space<hbm>>) dst(%arg8 : memref<128x256xf32, #tpu.memory_space<vmem>>)
    "tpu.region"() ({
      %run_scoped3A = tpu.sem_alloc : memref<!tpu.dma_semaphore, #tpu.memory_space<semaphore_mem>>
      %dma_start3A_18 = arith.constant 0 : i32
      %dma_start3A_19 = tpu.memref_slice %arg4[%multiple_of3A, %dma_start3A_18] : memref<4800x256xf32, #tpu.memory_space<hbm>> -> memref<128x256xf32, #tpu.memory_space<hbm>>
      %dma_start3A_20 = arith.constant 0 : i32
      %dma_start3A_21 = tpu.memref_slice %arg4[%multiple_of3A, %dma_start3A_20] : memref<4800x256xf32, #tpu.memory_space<hbm>> -> memref<128x256xf32, #tpu.memory_space<hbm>>
      tpu.enqueue_dma source(%arg8 : memref<128x256xf32, #tpu.memory_space<vmem>>) target(%dma_start3A_21 : memref<128x256xf32, #tpu.memory_space<hbm>>) target_semaphore(%run_scoped3A : memref<!tpu.dma_semaphore, #tpu.memory_space<semaphore_mem>>)
      %dma_wait3A_22 = arith.constant 0 : i32
      %dma_wait3A_23 = tpu.memref_slice %arg4[%multiple_of3A, %dma_wait3A_22] : memref<4800x256xf32, #tpu.memory_space<hbm>> -> memref<128x256xf32, #tpu.memory_space<hbm>>
      %dma_wait3A_24 = arith.constant 0 : i32
      %dma_wait3A_25 = tpu.memref_slice %arg4[%multiple_of3A, %dma_wait3A_24] : memref<4800x256xf32, #tpu.memory_space<hbm>> -> memref<128x256xf32, #tpu.memory_space<hbm>>
      tpu.wait_dma2 semaphore(%run_scoped3A : memref<!tpu.dma_semaphore, #tpu.memory_space<semaphore_mem>>) src(%arg8 : memref<128x256xf32, #tpu.memory_space<vmem>>) dst(%dma_wait3A_25 : memref<128x256xf32, #tpu.memory_space<hbm>>)
      tpu.yield
    }) : () -> ()
    %convert_element_type3A = arith.extui %lt3A_1 : i1 to i32
    %cond3A = arith.constant 0 : i32
    %cond3A_13 = arith.cmpi ne, %convert_element_type3A, %cond3A : i32
    scf.if %cond3A_13 {
      %add3A_18 = arith.constant 128 : i32
      %add3A_19 = arith.addi %multiple_of3A, %add3A_18 : i32
      "tpu.region"() ({
        %run_scoped3A = tpu.sem_alloc : memref<!tpu.dma_semaphore, #tpu.memory_space<semaphore_mem>>
        %dma_start3A_28 = tpu.memref_slice %arg3[%add3A_19] : memref<4800xi32, #tpu.memory_space<hbm>> -> memref<24xi32, #tpu.memory_space<hbm>>
        %dma_start3A_29 = tpu.memref_slice %arg3[%add3A_19] : memref<4800xi32, #tpu.memory_space<hbm>> -> memref<24xi32, #tpu.memory_space<hbm>>
        tpu.enqueue_dma source(%dma_start3A_29 : memref<24xi32, #tpu.memory_space<hbm>>) target(%arg6 : memref<24xi32, #tpu.memory_space<vmem>>) target_semaphore(%run_scoped3A : memref<!tpu.dma_semaphore, #tpu.memory_space<semaphore_mem>>)
        %dma_wait3A_30 = tpu.memref_slice %arg3[%add3A_19] : memref<4800xi32, #tpu.memory_space<hbm>> -> memref<24xi32, #tpu.memory_space<hbm>>
        %dma_wait3A_31 = tpu.memref_slice %arg3[%add3A_19] : memref<4800xi32, #tpu.memory_space<hbm>> -> memref<24xi32, #tpu.memory_space<hbm>>
        tpu.wait_dma2 semaphore(%run_scoped3A : memref<!tpu.dma_semaphore, #tpu.memory_space<semaphore_mem>>) src(%dma_wait3A_31 : memref<24xi32, #tpu.memory_space<hbm>>) dst(%arg6 : memref<24xi32, #tpu.memory_space<vmem>>)
        tpu.yield
      }) : () -> ()
      %dma_start3A_20 = arith.constant 0 : i32
      %dma_start3A_21 = arith.constant 0 : i32
      %dma_start3A_22 = tpu.memref_slice %arg2[%dma_start3A_20, %dma_start3A_21] : memref<8192x256xf32, #tpu.memory_space<hbm>> -> memref<8192x256xf32, #tpu.memory_space<hbm>>
      tpu.enqueue_indirect_dma source(%dma_start3A_22 : memref<8192x256xf32, #tpu.memory_space<hbm>>) target(%arg9 : memref<24x256xf32, #tpu.memory_space<vmem>>) offsets(%arg6 : memref<24xi32, #tpu.memory_space<vmem>>) semaphore(%arg11 : memref<!tpu.dma_semaphore, #tpu.memory_space<semaphore_mem>>)
      %dma_wait3A_23 = arith.constant 0 : i32
      %dma_wait3A_24 = arith.constant 0 : i32
      %dma_wait3A_25 = tpu.memref_slice %arg2[%dma_wait3A_23, %dma_wait3A_24] : memref<8192x256xf32, #tpu.memory_space<hbm>> -> memref<8192x256xf32, #tpu.memory_space<hbm>>
      tpu.wait_indirect_dma semaphore(%arg11 : memref<!tpu.dma_semaphore, #tpu.memory_space<semaphore_mem>>) src(%dma_wait3A_25 : memref<8192x256xf32, #tpu.memory_space<hbm>>) dst(%arg9 : memref<24x256xf32, #tpu.memory_space<vmem>>)
      %add3A_26 = arith.constant 128 : i32
      %add3A_27 = arith.addi %multiple_of3A, %add3A_26 : i32
      "tpu.region"() ({
        %run_scoped3A = tpu.sem_alloc : memref<!tpu.dma_semaphore, #tpu.memory_space<semaphore_mem>>
        %dma_start3A_28 = arith.constant 0 : i32
        %dma_start3A_29 = tpu.memref_slice %arg4[%add3A_27, %dma_start3A_28] : memref<4800x256xf32, #tpu.memory_space<hbm>> -> memref<24x256xf32, #tpu.memory_space<hbm>>
        %dma_start3A_30 = arith.constant 0 : i32
        %dma_start3A_31 = tpu.memref_slice %arg4[%add3A_27, %dma_start3A_30] : memref<4800x256xf32, #tpu.memory_space<hbm>> -> memref<24x256xf32, #tpu.memory_space<hbm>>
        tpu.enqueue_dma source(%arg9 : memref<24x256xf32, #tpu.memory_space<vmem>>) target(%dma_start3A_31 : memref<24x256xf32, #tpu.memory_space<hbm>>) target_semaphore(%run_scoped3A : memref<!tpu.dma_semaphore, #tpu.memory_space<semaphore_mem>>)
        %dma_wait3A_32 = arith.constant 0 : i32
        %dma_wait3A_33 = tpu.memref_slice %arg4[%add3A_27, %dma_wait3A_32] : memref<4800x256xf32, #tpu.memory_space<hbm>> -> memref<24x256xf32, #tpu.memory_space<hbm>>
        %dma_wait3A_34 = arith.constant 0 : i32
        %dma_wait3A_35 = tpu.memref_slice %arg4[%add3A_27, %dma_wait3A_34] : memref<4800x256xf32, #tpu.memory_space<hbm>> -> memref<24x256xf32, #tpu.memory_space<hbm>>
        tpu.wait_dma2 semaphore(%run_scoped3A : memref<!tpu.dma_semaphore, #tpu.memory_space<semaphore_mem>>) src(%arg9 : memref<24x256xf32, #tpu.memory_space<vmem>>) dst(%dma_wait3A_35 : memref<24x256xf32, #tpu.memory_space<hbm>>)
        tpu.yield
      }) : () -> ()
    } else {
    }
    %not3A = arith.constant true
    %not3A_14 = arith.xori %lt3A_1, %not3A : i1
    %convert_element_type3A_15 = arith.extui %not3A_14 : i1 to i32
    %cond3A_16 = arith.constant 0 : i32
    %cond3A_17 = arith.cmpi ne, %convert_element_type3A_15, %cond3A_16 : i32
    scf.if %cond3A_17 {
      %add3A_18 = arith.constant 128 : i32
      %add3A_19 = arith.addi %multiple_of3A, %add3A_18 : i32
      "tpu.region"() ({
        %run_scoped3A = tpu.sem_alloc : memref<!tpu.dma_semaphore, #tpu.memory_space<semaphore_mem>>
        %dma_start3A_28 = tpu.memref_slice %arg3[%add3A_19] : memref<4800xi32, #tpu.memory_space<hbm>> -> memref<16xi32, #tpu.memory_space<hbm>>
        %dma_start3A_29 = tpu.memref_slice %arg3[%add3A_19] : memref<4800xi32, #tpu.memory_space<hbm>> -> memref<16xi32, #tpu.memory_space<hbm>>
        tpu.enqueue_dma source(%dma_start3A_29 : memref<16xi32, #tpu.memory_space<hbm>>) target(%arg7 : memref<16xi32, #tpu.memory_space<vmem>>) target_semaphore(%run_scoped3A : memref<!tpu.dma_semaphore, #tpu.memory_space<semaphore_mem>>)
        %dma_wait3A_30 = tpu.memref_slice %arg3[%add3A_19] : memref<4800xi32, #tpu.memory_space<hbm>> -> memref<16xi32, #tpu.memory_space<hbm>>
        %dma_wait3A_31 = tpu.memref_slice %arg3[%add3A_19] : memref<4800xi32, #tpu.memory_space<hbm>> -> memref<16xi32, #tpu.memory_space<hbm>>
        tpu.wait_dma2 semaphore(%run_scoped3A : memref<!tpu.dma_semaphore, #tpu.memory_space<semaphore_mem>>) src(%dma_wait3A_31 : memref<16xi32, #tpu.memory_space<hbm>>) dst(%arg7 : memref<16xi32, #tpu.memory_space<vmem>>)
        tpu.yield
      }) : () -> ()
      %dma_start3A_20 = arith.constant 0 : i32
      %dma_start3A_21 = arith.constant 0 : i32
      %dma_start3A_22 = tpu.memref_slice %arg2[%dma_start3A_20, %dma_start3A_21] : memref<8192x256xf32, #tpu.memory_space<hbm>> -> memref<8192x256xf32, #tpu.memory_space<hbm>>
      tpu.enqueue_indirect_dma source(%dma_start3A_22 : memref<8192x256xf32, #tpu.memory_space<hbm>>) target(%arg10 : memref<16x256xf32, #tpu.memory_space<vmem>>) offsets(%arg7 : memref<16xi32, #tpu.memory_space<vmem>>) semaphore(%arg11 : memref<!tpu.dma_semaphore, #tpu.memory_space<semaphore_mem>>)
      %dma_wait3A_23 = arith.constant 0 : i32
      %dma_wait3A_24 = arith.constant 0 : i32
      %dma_wait3A_25 = tpu.memref_slice %arg2[%dma_wait3A_23, %dma_wait3A_24] : memref<8192x256xf32, #tpu.memory_space<hbm>> -> memref<8192x256xf32, #tpu.memory_space<hbm>>
      tpu.wait_indirect_dma semaphore(%arg11 : memref<!tpu.dma_semaphore, #tpu.memory_space<semaphore_mem>>) src(%dma_wait3A_25 : memref<8192x256xf32, #tpu.memory_space<hbm>>) dst(%arg10 : memref<16x256xf32, #tpu.memory_space<vmem>>)
      %add3A_26 = arith.constant 128 : i32
      %add3A_27 = arith.addi %multiple_of3A, %add3A_26 : i32
      "tpu.region"() ({
        %run_scoped3A = tpu.sem_alloc : memref<!tpu.dma_semaphore, #tpu.memory_space<semaphore_mem>>
        %dma_start3A_28 = arith.constant 0 : i32
        %dma_start3A_29 = tpu.memref_slice %arg4[%add3A_27, %dma_start3A_28] : memref<4800x256xf32, #tpu.memory_space<hbm>> -> memref<16x256xf32, #tpu.memory_space<hbm>>
        %dma_start3A_30 = arith.constant 0 : i32
        %dma_start3A_31 = tpu.memref_slice %arg4[%add3A_27, %dma_start3A_30] : memref<4800x256xf32, #tpu.memory_space<hbm>> -> memref<16x256xf32, #tpu.memory_space<hbm>>
        tpu.enqueue_dma source(%arg10 : memref<16x256xf32, #tpu.memory_space<vmem>>) target(%dma_start3A_31 : memref<16x256xf32, #tpu.memory_space<hbm>>) target_semaphore(%run_scoped3A : memref<!tpu.dma_semaphore, #tpu.memory_space<semaphore_mem>>)
        %dma_wait3A_32 = arith.constant 0 : i32
        %dma_wait3A_33 = tpu.memref_slice %arg4[%add3A_27, %dma_wait3A_32] : memref<4800x256xf32, #tpu.memory_space<hbm>> -> memref<16x256xf32, #tpu.memory_space<hbm>>
        %dma_wait3A_34 = arith.constant 0 : i32
        %dma_wait3A_35 = tpu.memref_slice %arg4[%add3A_27, %dma_wait3A_34] : memref<4800x256xf32, #tpu.memory_space<hbm>> -> memref<16x256xf32, #tpu.memory_space<hbm>>
        tpu.wait_dma2 semaphore(%run_scoped3A : memref<!tpu.dma_semaphore, #tpu.memory_space<semaphore_mem>>) src(%arg10 : memref<16x256xf32, #tpu.memory_space<vmem>>) dst(%dma_wait3A_35 : memref<16x256xf32, #tpu.memory_space<hbm>>)
        tpu.yield
      }) : () -> ()
    } else {
    }
    return
  }
}

module attributes {stable_mosaic.version = 14 : i64} {
  func.func @_tc_body(%arg0: i32, %arg1: memref<480x256xf32, #tpu.memory_space<vmem>>, %arg2: memref<8192x256xf32, #tpu.memory_space<vmem>>, %arg3: memref<1x1x480xi32, #tpu.memory_space<vmem>>, %arg4: memref<2xf32, #tpu.memory_space<smem>>, %arg5: memref<8192x256xbf16, #tpu.memory_space<vmem>>, %arg6: memref<1x8192xf32, #tpu.memory_space<vmem>>, %arg7: memref<2xf32, #tpu.memory_space<smem>>) attributes {dimension_semantics = [#tpu.dimension_semantics<arbitrary>], iteration_bounds = array<i64: 10>, scalar_prefetch = 0 : i64, scratch_operands = 3 : i64, tpu.core_type = #tpu.core_type<tc>, window_params = [{transform_indices = @transform_0, window_bounds = array<i64: 480, 256>}, {pipeline_mode = #tpu.pipeline_mode<synchronous>, transform_indices = @transform_1, window_bounds = array<i64: 8192, 256>}, {transform_indices = @transform_2, window_bounds = array<i64: 1, 1, 480>}, {transform_indices = @transform_3, window_bounds = array<i64: 2>}]} {
    %get3A = arith.constant 0 : index
    %get3A_0 = arith.constant 0 : index
    %get3A_1 = vector.load %arg1[%get3A, %get3A_0] : memref<480x256xf32, #tpu.memory_space<vmem>>, vector<480x256xf32>
    %eq3A = arith.constant 0 : i32
    %eq3A_2 = arith.cmpi eq, %arg0, %eq3A : i32
    %convert_element_type3A = arith.extui %eq3A_2 : i1 to i32
    %cond3A = arith.constant 0 : i32
    %cond3A_3 = arith.cmpi ne, %convert_element_type3A, %cond3A : i32
    scf.if %cond3A_3 {
      %get3A_77 = arith.constant 0 : index
      %get3A_78 = arith.constant 0 : index
      %get3A_79 = vector.load %arg2[%get3A_77, %get3A_78] : memref<8192x256xf32, #tpu.memory_space<vmem>>, vector<8192x256xf32>
      %mul3A_80 = arith.mulf %get3A_79, %get3A_79 : vector<8192x256xf32>
      %reduce_sum3A_81 = arith.constant dense<0.000000e+00> : vector<8192xf32>
      %reduce_sum3A_82 = vector.multi_reduction <add>, %mul3A_80, %reduce_sum3A_81 [1] : vector<8192x256xf32> to vector<8192xf32>
      %broadcast_in_dim3A_83 = vector.shape_cast %reduce_sum3A_82 : vector<8192xf32> to vector<1x8192xf32>
      %swap3A_84 = arith.constant 0 : index
      %swap3A_85 = arith.constant 0 : index
      %swap3A_86 = vector.load %arg6[%swap3A_84, %swap3A_85] : memref<1x8192xf32, #tpu.memory_space<vmem>>, vector<1x8192xf32>
      tpu.vector_store %arg6[%swap3A_84, %swap3A_85], %broadcast_in_dim3A_83 {strides = array<i32>} : memref<1x8192xf32, #tpu.memory_space<vmem>>, vector<1x8192xf32>,
      %convert_element_type3A_87 = arith.truncf %get3A_79 : vector<8192x256xf32> to vector<8192x256xbf16>
      %swap3A_88 = arith.constant 0 : index
      %swap3A_89 = arith.constant 0 : index
      %swap3A_90 = vector.load %arg5[%swap3A_88, %swap3A_89] : memref<8192x256xbf16, #tpu.memory_space<vmem>>, vector<8192x256xbf16>
      tpu.vector_store %arg5[%swap3A_88, %swap3A_89], %convert_element_type3A_87 {strides = array<i32>} : memref<8192x256xbf16, #tpu.memory_space<vmem>>, vector<8192x256xbf16>,
    } else {
    }
    %mul3A = arith.mulf %get3A_1, %get3A_1 : vector<480x256xf32>
    %reduce_sum3A = arith.constant dense<0.000000e+00> : vector<480xf32>
    %reduce_sum3A_4 = vector.multi_reduction <add>, %mul3A, %reduce_sum3A [1] : vector<480x256xf32> to vector<480xf32>
    %broadcast_in_dim3A = vector.shape_cast %reduce_sum3A_4 : vector<480xf32> to vector<480x1xf32>
    %get3A_5 = arith.constant 0 : index
    %get3A_6 = arith.constant 0 : index
    %get3A_7 = vector.load %arg6[%get3A_5, %get3A_6] : memref<1x8192xf32, #tpu.memory_space<vmem>>, vector<1x8192xf32>
    %convert_element_type3A_8 = arith.truncf %get3A_1 : vector<480x256xf32> to vector<480x256xbf16>
    %get3A_9 = arith.constant 0 : index
    %get3A_10 = arith.constant 0 : index
    %get3A_11 = vector.load %arg5[%get3A_9, %get3A_10] : memref<8192x256xbf16, #tpu.memory_space<vmem>>, vector<8192x256xbf16>
    %dot_general3A = arith.constant dense<0.000000e+00> : vector<480x8192xf32>
    %dot_general3A_12 = tpu.matmul %convert_element_type3A_8, %get3A_11, %dot_general3A {dimension_numbers = #tpu.dot_dimension_numbers<[1], [1], [0], [0], [0, 0, 1, 0], [], []>, transpose_lhs_hint = false} : vector<480x256xbf16>, vector<8192x256xbf16>, vector<480x8192xf32> -> vector<480x8192xf32>
    %add3A = vector.broadcast %broadcast_in_dim3A : vector<480x1xf32> to vector<480x8192xf32>
    %add3A_13 = vector.broadcast %get3A_7 : vector<1x8192xf32> to vector<480x8192xf32>
    %add3A_14 = arith.addf %add3A, %add3A_13 : vector<480x8192xf32>
    %mul3A_15 = arith.constant 2.000000e+00 : f32
    %mul3A_16 = vector.broadcast %mul3A_15 : f32 to vector<480x8192xf32>
    %mul3A_17 = arith.mulf %mul3A_16, %dot_general3A_12 : vector<480x8192xf32>
    %sub3A = arith.subf %add3A_14, %mul3A_17 : vector<480x8192xf32>
    %iota3A = tpu.iota {dimensions = array<i32: 1>} : vector<1x8192xi32>
    %convert_element_type3A_18 = arith.sitofp %iota3A : vector<1x8192xi32> to vector<1x8192xf32>
    %reduce_min3A = arith.constant dense<0x7F800000> : vector<480xf32>
    %reduce_min3A_19 = vector.multi_reduction <minimumf>, %sub3A, %reduce_min3A [1] : vector<480x8192xf32> to vector<480xf32>
    %broadcast_in_dim3A_20 = vector.shape_cast %reduce_min3A_19 : vector<480xf32> to vector<480x1xf32>
    %eq3A_21 = vector.broadcast %broadcast_in_dim3A_20 : vector<480x1xf32> to vector<480x8192xf32>
    %eq3A_22 = arith.cmpf oeq, %sub3A, %eq3A_21 : vector<480x8192xf32>
    %jit3A = arith.constant 8.192000e+03 : f32
    %broadcast_in_dim3A_23 = vector.shape_cast %convert_element_type3A_18 : vector<1x8192xf32> to vector<1x8192xf32>
    %broadcast_in_dim3A_24 = vector.broadcast %broadcast_in_dim3A_23 : vector<1x8192xf32> to vector<480x8192xf32>
    %broadcast_in_dim3A_25 = vector.broadcast %jit3A : f32 to vector<480x8192xf32>
    %select_n3A = arith.select %eq3A_22, %broadcast_in_dim3A_24, %broadcast_in_dim3A_25 : vector<480x8192xi1>, vector<480x8192xf32>
    %reduce_min3A_26 = arith.constant dense<0x7F800000> : vector<480xf32>
    %reduce_min3A_27 = vector.multi_reduction <minimumf>, %select_n3A, %reduce_min3A_26 [1] : vector<480x8192xf32> to vector<480xf32>
    %jit3A_28 = arith.constant 0x7F800000 : f32
    %broadcast_in_dim3A_29 = vector.broadcast %jit3A_28 : f32 to vector<480x8192xf32>
    %select_n3A_30 = arith.select %eq3A_22, %broadcast_in_dim3A_29, %sub3A : vector<480x8192xi1>, vector<480x8192xf32>
    %reduce_min3A_31 = arith.constant dense<0x7F800000> : vector<480xf32>
    %reduce_min3A_32 = vector.multi_reduction <minimumf>, %select_n3A_30, %reduce_min3A_31 [1] : vector<480x8192xf32> to vector<480xf32>
    %broadcast_in_dim3A_33 = vector.shape_cast %reduce_min3A_32 : vector<480xf32> to vector<480x1xf32>
    %eq3A_34 = vector.broadcast %broadcast_in_dim3A_33 : vector<480x1xf32> to vector<480x8192xf32>
    %eq3A_35 = arith.cmpf oeq, %select_n3A_30, %eq3A_34 : vector<480x8192xf32>
    %jit3A_36 = arith.constant 0x7F800000 : f32
    %broadcast_in_dim3A_37 = vector.broadcast %jit3A_36 : f32 to vector<480x8192xf32>
    %select_n3A_38 = arith.select %eq3A_35, %broadcast_in_dim3A_37, %select_n3A_30 : vector<480x8192xi1>, vector<480x8192xf32>
    %reduce_min3A_39 = arith.constant dense<0x7F800000> : vector<480xf32>
    %reduce_min3A_40 = vector.multi_reduction <minimumf>, %select_n3A_38, %reduce_min3A_39 [1] : vector<480x8192xf32> to vector<480xf32>
    %convert_element_type3A_41 = arith.fptosi %reduce_min3A_27 : vector<480xf32> to vector<480xi32>
    %swap3A = arith.constant 0 : index
    %swap3A_42 = arith.constant 0 : index
    %swap3A_43 = arith.constant 0 : index
    %swap3A_44 = vector.load %arg3[%swap3A, %swap3A_42, %swap3A_43] : memref<1x1x480xi32, #tpu.memory_space<vmem>>, vector<1x1x480xi32>
    %swap3A_45 = vector.shape_cast %swap3A_44 : vector<1x1x480xi32> to vector<480xi32>
    %swap3A_46 = vector.shape_cast %convert_element_type3A_41 : vector<480xi32> to vector<1x1x480xi32>
    tpu.vector_store %arg3[%swap3A, %swap3A_42, %swap3A_43], %swap3A_46 {strides = array<i32>} : memref<1x1x480xi32, #tpu.memory_space<vmem>>, vector<1x1x480xi32>,
    %reduce_sum3A_47 = vector.shape_cast %broadcast_in_dim3A_20 : vector<480x1xf32> to vector<1x480x1xf32>
    %reduce_sum3A_48 = arith.constant dense<0.000000e+00> : vector<1xf32>
    %reduce_sum3A_49 = vector.multi_reduction <add>, %reduce_sum3A_47, %reduce_sum3A_48 [1, 2] : vector<1x480x1xf32> to vector<1xf32>
    %reduce_sum3A_50 = vector.shape_cast %reduce_sum3A_49 : vector<1xf32> to vector<1x1x1xf32>
    %reduce_sum3A_51 = vector.extract %reduce_sum3A_50[0, 0, 0] : f32 from vector<1x1x1xf32>
    %reduce_sum3A_52 = vector.shape_cast %reduce_min3A_40 : vector<480xf32> to vector<1x480xf32>
    %reduce_sum3A_53 = arith.constant dense<0.000000e+00> : vector<1xf32>
    %reduce_sum3A_54 = vector.multi_reduction <add>, %reduce_sum3A_52, %reduce_sum3A_53 [1] : vector<1x480xf32> to vector<1xf32>
    %reduce_sum3A_55 = vector.shape_cast %reduce_sum3A_54 : vector<1xf32> to vector<1x1xf32>
    %reduce_sum3A_56 = vector.extract %reduce_sum3A_55[0, 0] : f32 from vector<1x1xf32>
    %eq3A_57 = arith.constant 0 : i32
    %eq3A_58 = arith.cmpi eq, %arg0, %eq3A_57 : i32
    %convert_element_type3A_59 = arith.extui %eq3A_58 : i1 to i32
    %cond3A_60 = arith.constant 0 : i32
    %cond3A_61 = arith.cmpi ne, %convert_element_type3A_59, %cond3A_60 : i32
    scf.if %cond3A_61 {
      %swap3A_77 = arith.constant 0.000000e+00 : f32
      %swap3A_78 = arith.constant 0 : index
      %swap3A_79 = memref.load %arg7[%swap3A_78] : memref<2xf32, #tpu.memory_space<smem>>
      memref.store %swap3A_77, %arg7[%swap3A_78] : memref<2xf32, #tpu.memory_space<smem>>
      %swap3A_80 = arith.constant 0.000000e+00 : f32
      %swap3A_81 = arith.constant 1 : index
      %swap3A_82 = memref.load %arg7[%swap3A_81] : memref<2xf32, #tpu.memory_space<smem>>
      memref.store %swap3A_80, %arg7[%swap3A_81] : memref<2xf32, #tpu.memory_space<smem>>
    } else {
    }
    %get3A_62 = arith.constant 0 : index
    %get3A_63 = memref.load %arg7[%get3A_62] : memref<2xf32, #tpu.memory_space<smem>>
    %add3A_64 = arith.addf %get3A_63, %reduce_sum3A_51 : f32
    %swap3A_65 = arith.constant 0 : index
    %swap3A_66 = memref.load %arg7[%swap3A_65] : memref<2xf32, #tpu.memory_space<smem>>
    memref.store %add3A_64, %arg7[%swap3A_65] : memref<2xf32, #tpu.memory_space<smem>>
    %get3A_67 = arith.constant 1 : index
    %get3A_68 = memref.load %arg7[%get3A_67] : memref<2xf32, #tpu.memory_space<smem>>
    %add3A_69 = arith.addf %get3A_68, %reduce_sum3A_56 : f32
    %swap3A_70 = arith.constant 1 : index
    %swap3A_71 = memref.load %arg7[%swap3A_70] : memref<2xf32, #tpu.memory_space<smem>>
    memref.store %add3A_69, %arg7[%swap3A_70] : memref<2xf32, #tpu.memory_space<smem>>
    %eq3A_72 = arith.constant 9 : i32
    %eq3A_73 = arith.cmpi eq, %arg0, %eq3A_72 : i32
    %convert_element_type3A_74 = arith.extui %eq3A_73 : i1 to i32
    %cond3A_75 = arith.constant 0 : i32
    %cond3A_76 = arith.cmpi ne, %convert_element_type3A_74, %cond3A_75 : i32
    scf.if %cond3A_76 {
      %get3A_77 = arith.constant 0 : index
      %get3A_78 = memref.load %arg7[%get3A_77] : memref<2xf32, #tpu.memory_space<smem>>
      %get3A_79 = arith.constant 1 : index
      %get3A_80 = memref.load %arg7[%get3A_79] : memref<2xf32, #tpu.memory_space<smem>>
      %sqrt3A = math.sqrt %get3A_78 : f32
      %sqrt3A_81 = math.sqrt %get3A_80 : f32
      %div3A = arith.divf %sqrt3A, %sqrt3A_81 : f32
      %sub3A_82 = arith.constant 1.000000e+00 : f32
      %sub3A_83 = arith.subf %sub3A_82, %div3A : f32
      %swap3A_84 = arith.constant 0 : index
      %swap3A_85 = memref.load %arg4[%swap3A_84] : memref<2xf32, #tpu.memory_space<smem>>
      memref.store %sub3A_83, %arg4[%swap3A_84] : memref<2xf32, #tpu.memory_space<smem>>
      %mul3A_86 = arith.constant 2.500000e-01 : f32
      %mul3A_87 = arith.mulf %mul3A_86, %get3A_78 : f32
      %div3A_88 = arith.constant 1.228800e+06 : f32
      %div3A_89 = arith.divf %mul3A_87, %div3A_88 : f32
      %swap3A_90 = arith.constant 1 : index
      %swap3A_91 = memref.load %arg4[%swap3A_90] : memref<2xf32, #tpu.memory_space<smem>>
      memref.store %div3A_89, %arg4[%swap3A_90] : memref<2xf32, #tpu.memory_space<smem>>
    } else {
    }
    return
  }
  func.func @transform_0(%arg0: i32) -> (i32, i32) {
    %c0_i32 = arith.constant 0 : i32
    %c0_i32_0 = arith.constant 0 : i32
    return %arg0, %c0_i32 : i32, i32
  }
  func.func @transform_1(%arg0: i32) -> (i32, i32) {
    %c0_i32 = arith.constant 0 : i32
    %c0_i32_0 = arith.constant 0 : i32
    %c0_i32_1 = arith.constant 0 : i32
    return %c0_i32, %c0_i32_0 : i32, i32
  }
  func.func @transform_2(%arg0: i32) -> (i32, i32, i32) {
    %c0_i32 = arith.constant 0 : i32
    %c0_i32_0 = arith.constant 0 : i32
    %c0_i32_1 = arith.constant 0 : i32
    return %arg0, %c0_i32, %c0_i32_0 : i32, i32, i32
  }
  func.func @transform_3(%arg0: i32) -> i32 {
    %c0_i32 = arith.constant 0 : i32
    %c0_i32_0 = arith.constant 0 : i32
    return %c0_i32 : i32
  }
}

</mosaic_0001>

<sc_bundles>
// kernel: kernel.4.cloned.1.call-start
scs
__scs_entry_jumppad:
0x0: {  	(pc) =	sbr.rel $0x88, $3  }
0x1: {  	(tag) =	ssettag $0x0;
	lr =	simm.s32 $0x1  }
0x2: {  	[smem:$0x3F9F] =	sst lr;
	_ =	strace $0xD0000000  }
0x3: {  	_ = 	snop  }
0x4: {  	_ = 	snop  }
0x5: {  	_ = 	snop  }
0x6: {  	_ = 	snop  }
0x7: {  	_ = 	snop  }
__scs_overlays_trampoline_lowered:
0x8: {  	[smem:$0x3FAE] =	sst s0  }
0x9: {  	[smem:$0x3FAF] =	sst s1  }
0xa: {  	[smem:$0x3FB0] =	sst s2  }
0xb: {  	[smem:$0x3FB1] =	sst s3  }
0xc: {  	[smem:$0x3FB2] =	sst s4  }
0xd: {  	[smem:$0x3FB3] =	sst s5  }
0xe: {  	[smem:$0x3FB4] =	sst s6  }
0xf: {  	[smem:$0x3FB5] =	sst s7  }
0x10: {  	[smem:$0x3FB6] =	sst s8  }
0x11: {  	[smem:$0x3FB7] =	sst s9;
	s0 =	simm.s32 @!p0 $0x0  }
0x12: {  	s1 =	sld [smem:$0x3F9D];
	s0 =	simm.s32 @p0 $0x1  }
0x13: {  	[smem:$0x3FB8] =	sst s0;
	s0 =	simm.s32 @!p1 $0x0  }
0x14: {  	s2 =	sld [smem:$0x3F9C];
	s0 =	simm.s32 @p1 $0x1  }
0x15: {  	[smem:$0x3FB9] =	sst s0;
	s0 =	simm.s32 @!p2 $0x0  }
0x16: {  	s3 =	sld [smem:$0x3FDB];
	s0 =	simm.s32 @p2 $0x1  }
0x17: {  	s4 =	simm.s32 $0x1BF5;
	[smem:$0x3FBB] =	sst s0  }
0x18: {  	s0 =	sld [smem:$0x3F9E];
	_ =	swait.ge [sflag:s4], $0x0  }
0x19: {  	s7 =	sld [smem:$0x3F9F]  }
0x1a: {  	s8 =	sadd.s32 $0xFFFFE003, lr  }
0x1b: {  	s9 =	sadd.s32 $0xFFFFFEF7, lr;
	s5 =	simm.s32 $0xFFFFFFFF;
	p2 =	slt.u32 s8, $0xFFFFF086  }
0x1c: {  	p1 =	slt.u32 s9, $0xF7A;
	s5 =	simm.s32 @!p2 $0x0  }
0x1d: {  	s5 =	simm.s32 @p1 $0x1;
	p0 =	seq.s32 s7, s2  }
0x1e: {  	s7 =	smul.u32 @!p0 $0xF7A, s2;
	p2 =	seq.s32 @!p0 s5, $0x0  }
0x1f: {  	s9 =	smul.u32 $0xF7A, s1;
	s8 =	simm.s32 @!p0 $0x1BF5;
	p2 =	por !p2, p0  }
0x20: {  	[sflag:s8] =	ssyncset.s32 @!p0 $0xFFFFF086;
	s6 =	sadd.s32 @!p0 s3, s7;
	s7 =	simm.s32 @!p0 $0x108  }
0x21: {  	s3 =	sadd.s32 s3, s9;
	s6 =	sadd.s32 @!p0 $0x88, s6;
	s7 =	simm.s32 @p2 $0x1082  }
0x22: {  	[simem:s7], [sflag:s8] =	dma.local @!p0 [hbm:s6], $0xF7A  }
0x23: {  	s9 =	sor.u32 $0xD0000000, s2;
	s6 =	simm.s32 $0x108;
	_ =	swait.ge @!p0 [sflag:s8], $0x0  }
0x24: {  	s3 =	sadd.s32 $0x88, s3;
	s6 =	simm.s32 @!p1 $0x1082;
	[sflag:s4] =	ssyncset.s32 $0xFFFFF086  }
0x25: {  	[simem:s6], [sflag:s4] =	dma.local [hbm:s3], $0xF7A  }
0x26: {  	[smem:$0x3F9F] =	sst s1;
	(tag) =	ssettag s2;
	_ =	strace s9  }
0x27: {  	s1 =	sld [smem:$0x3FAF]  }
0x28: {  	s2 =	sld [smem:$0x3FB0]  }
0x29: {  	s4 =	sld [smem:$0x3FB2]  }
0x2a: {  	p0 =	seq.s32 s5, $0x0;
	s5 =	sld [smem:$0x3FB3]  }
0x2b: {  	s6 =	sld [smem:$0x3FB4]  }
0x2c: {  	s7 =	sld [smem:$0x3FB5]  }
0x2d: {  	s3 =	simm.s32 $0x108;
	s8 =	sld [smem:$0x3FB6]  }
0x2e: {  	s3 =	simm.s32 @!p0 $0x1082;
	s9 =	sld [smem:$0x3FB7]  }
0x2f: {  	lr =	sadd.s32 s0, s3;
	s0 =	sld [smem:$0x3FAE]  }
0x30: {  	s3 =	sld [smem:$0x3FB1]  }
0x31: {  	[smem:$0x3FBA] =	sst s10  }
0x32: {  	s10 =	sld [smem:$0x3FB8];
	_ =	sdelay $0x3  }
0x33: {  	p0 =	seq.s32 s10, $0x1;
	s10 =	sld [smem:$0x3FBA];
	_ =	sdelay $0x3  }
0x34: {  	[smem:$0x3FBA] =	sst s10  }
0x35: {  	s10 =	sld [smem:$0x3FB9];
	_ =	sdelay $0x3  }
0x36: {  	p1 =	seq.s32 s10, $0x1;
	s10 =	sld [smem:$0x3FBA];
	_ =	sdelay $0x3  }
0x37: {  	[smem:$0x3FBA] =	sst s10  }
0x38: {  	s10 =	sld [smem:$0x3FBB]  }
0x39: {  	_ = 	snop;
	(pc) =	sbr.ind lr, $3  }
0x3a: {  	_ = 	snop  }
0x3b: {  	_ = 	snop  }
0x3c: {  	p2 =	seq.s32 s10, $0x1;
	s10 =	sld [smem:$0x3FBA]  }
0x3d: {  	_ =	shalt  }
0x3e: {  	_ =	shalt  }
0x3f: {  	_ =	shalt  }
0x40: {  	_ =	shalt  }
0x41: {  	_ =	shalt  }
0x42: {  	_ =	shalt  }
0x43: {  	_ =	shalt  }
0x44: {  	_ =	shalt  }
0x45: {  	_ =	shalt  }
0x46: {  	_ =	shalt  }
0x47: {  	_ =	shalt  }
0x48: {  	_ =	shalt  }
0x49: {  	_ =	shalt  }
0x4a: {  	_ =	shalt  }
0x4b: {  	_ =	shalt  }
0x4c: {  	_ =	shalt  }
0x4d: {  	_ =	shalt  }
0x4e: {  	_ =	shalt  }
0x4f: {  	_ =	shalt  }
0x50: {  	_ =	shalt  }
0x51: {  	_ =	shalt  }
0x52: {  	_ =	shalt  }
0x53: {  	_ =	shalt  }
0x54: {  	_ =	shalt  }
0x55: {  	_ =	shalt  }
0x56: {  	_ =	shalt  }
0x57: {  	_ =	shalt  }
0x58: {  	_ =	shalt  }
0x59: {  	_ =	shalt  }
0x5a: {  	_ =	shalt  }
0x5b: {  	_ =	shalt  }
0x5c: {  	_ =	shalt  }
0x5d: {  	_ =	shalt  }
0x5e: {  	_ =	shalt  }
0x5f: {  	_ =	shalt  }
0x60: {  	_ =	shalt  }
0x61: {  	_ =	shalt  }
0x62: {  	_ =	shalt  }
0x63: {  	_ =	shalt  }
0x64: {  	_ =	shalt  }
0x65: {  	_ =	shalt  }
0x66: {  	_ =	shalt  }
0x67: {  	_ =	shalt  }
0x68: {  	_ =	shalt  }
0x69: {  	_ =	shalt  }
0x6a: {  	_ =	shalt  }
0x6b: {  	_ =	shalt  }
0x6c: {  	_ =	shalt  }
0x6d: {  	_ =	shalt  }
0x6e: {  	_ =	shalt  }
0x6f: {  	_ =	shalt  }
0x70: {  	_ =	shalt  }
0x71: {  	_ =	shalt  }
0x72: {  	_ =	shalt  }
0x73: {  	_ =	shalt  }
0x74: {  	_ =	shalt  }
0x75: {  	_ =	shalt  }
0x76: {  	_ =	shalt  }
0x77: {  	_ =	shalt  }
0x78: {  	_ =	shalt  }
0x79: {  	_ =	shalt  }
0x7a: {  	_ =	shalt  }
0x7b: {  	_ =	shalt  }
0x7c: {  	_ =	shalt  }
0x7d: {  	_ =	shalt  }
0x7e: {  	_ =	shalt  }
0x7f: {  	_ =	shalt  }
0x80: {  	_ =	shalt  }
0x81: {  	_ =	shalt  }
0x82: {  	_ =	shalt  }
0x83: {  	_ =	shalt  }
0x84: {  	_ =	shalt  }
0x85: {  	_ =	shalt  }
0x86: {  	_ =	shalt  }
0x87: {  	_ =	shalt  }
.Lfunc_end0:
.L_simem_size_0:
called_computation_lowered:
.L_overlay_start_0:
0x88: {  	s2 =	sld [smem:$0x3FD9]  }
0x89: {  	s3 =	sld [smem:$0x3FFE];
	_ =	sdelay $0x1  }
0x8a: {  	s1 =	srdreg.scid  }
0x8b: {  	s0 =	sand.u32 $0x1, s1  }
0x8c: {  	s14 =	sshll.u32 s0, $0xA;
	s2 =	sadd.s32 s3, s2  }
0x8d: {  	s2 =	sadd.s32 s2, s14  }
0x8e: {  	[smem:$0x3FC6] =	sst s2  }
0x8f: {  	_ = 	snop  }
0x90: {  	s2 =	sld [smem:$0x3FD0];
	_ =	sdelay $0x2  }
0x91: {  	s4 =	simm.s32 $0xA;
	s5 =	simm.s32 $0x10;
	s15 =	sld [smem:$0x3FC8]  }
0x92: {  	[smem:s5], [sflag:s4] =	dma.local [hbm:s2], $0x1  }
0x93: {  	_ =	swait.eq [sflag:s4], $0x1  }
0x94: {  	[sflag:s4] =	ssyncset.done $0x0  }
0x95: {  	[sflag:s4] =	ssyncadd.s32 $0xFFFFFFFF  }
0x96: {  	s16 =	sld [smem:$0x12];
	(tm) =	ssettm $0x1  }
0x97: {  	s17 =	sld [smem:$0x3FFB];
	_ =	sdelay $0x3  }
0x98: {  	_ =	strace s17  }
0x99: {  	s4 =	sld [smem:$0x3FFC];
	_ =	sdelay $0x3  }
0x9a: {  	_ =	strace s4  }
0x9b: {  	s4 =	sld [smem:$0x3FFD];
	_ =	sdelay $0x3  }
0x9c: {  	_ =	strace s4  }
0x9d: {  	_ =	strace $0x8FFFFFFF  }
0x9e: {  	s18 =	sld [smem:$0x3FDB];
	_ =	sdelay $0x1  }
0x9f: {  	s19 =	simm.s32 $_scs_section_size  }
0xa0: {  	s6 =	simm.s32 $_size__tile_overlayer_lowered;
	s7 =	simm.s32 $_tile_overlayer_lowered  }
0xa1: {  	s22 =	simm.s32 $0x1BFF;
	s21 =	sshll.u32 s7, $0x1;
	s4 =	sadd.s32 s19, s18  }
0xa2: {  	s8 =	simm.s32 $0x0;
	s20 =	sshll.u32 s6, $0x1;
	s6 =	sadd.s32 s21, s4  }
0xa3: {  	[timem:s8], [sflag:s22] =	dma.local [hbm:s6], s20  }
0xa4: {  	_ =	swait.ge [sflag:s22], s20  }
0xa5: {  	s5 =	ssub.s32 $0x0, s20;
	[sflag:s22] =	ssyncset.done $0x0  }
0xa6: {  	[sflag:s22] =	ssyncadd.s32 s5;
	_ =	sdelay $0x1  }
0xa7: {  	s23 =	simm.s32 $0x1B8B  }
0xa8: {  	_ =	swait.ge [sflag:s23], $0x1  }
0xa9: {  	[sflag:s23] =	ssyncset.done $0x0  }
0xaa: {  	s25 =	simm.s32 $0x1B8E;
	s24 =	sld [smem:$0x3FFE];
	[sflag:s23] =	ssyncadd.s32 $0xFFFFFFFF  }
0xab: {  	s26 =	simm.s32 $execute0_lowered;
	[smem:$0x3FD2] =	sst s25  }
0xac: {  	s6 =	sshll.u32 s26, $0x1;
	_ =	strace $0x80000046;
	[dreg:$0x1] =	wrdreg $0xFFFFFFFF  }
0xad: {  	s28 =	simm.s32 $_size_execute0_lowered;
	s4 =	sadd.s32 s4, s6;
	[dreg:$0x0] =	wrdreg $0x0  }
0xae: {  	s6 =	sshll.u32 s28, $0x1;
	[dreg:$0x2] =	wrdreg s4  }
0xaf: {  	[dreg:$0x3] =	wrdreg s6  }
0xb0: {  	[dreg:$0x4] =	wrdreg $0xC0  }
0xb1: {  	_ =	task [dreg:s8], $0x5FFFF  }
0xb2: {  	[dreg:$0x1] =	wrdreg $0xFFFFFFFF  }
0xb3: {  	[dreg:$0x0] =	wrdreg $0x60  }
0xb4: {  	[dreg:$0x2] =	wrdreg s15  }
0xb5: {  	[dreg:$0x3] =	wrdreg s24  }
0xb6: {  	[dreg:$0x4] =	wrdreg s16  }
0xb7: {  	[dreg:$0x5] =	wrdreg $0x9  }
0xb8: {  	_ =	task.clear_ibuf [dreg:s8], $0x6FFFF;
	_ =	strace $0x90000046  }
0xb9: {  	s29 =	simm.s32 $0x9;
	_ =	strace $0x80000048  }
0xba: {  	_ =	swait.ge [sflag:s29], $0x1  }
0xbb: {  	[sflag:s29] =	ssyncadd.s32 $0xFFFFFFFF  }
0xbc: {  	_ =	strace $0x90000048  }
0xbd: {  	_ =	sfence  }
0xbe: {  	s30 =	sld [smem:$0x0];
	_ =	sdelay $0x2  }
0xbf: {  	s31 =	sshll.u32 s1, $0xD;
	s1 =	sshrl.u32 s1, $0x2  }
0xc0: {  	s3 =	sand.u32 $0x4000, s31;
	s1 =	sadd.s32 s1, s30  }
0xc1: {  	s0 =	sor.u32 s3, s0;
	s1 =	sshll.u32 s1, $0x11  }
0xc2: {  	s0 =	sor.u32 s1, s0  }
0xc3: {  	s0 =	sadd.s32 $0x8F2B, s0  }
0xc4: {  	[sflag:s0] =	ssyncadd.remote.s32 $0x1  }
0xc5: {  	_ =	sfence.sel $0xFFFF  }
0xc6: {  	[dreg:$0x0] =	wrdreg $0xFFFFFFFF;
	(pc) =	sbr.abs _section_cstart, $3  }
0xc7: {  	[dreg:$0x1] =	wrdreg $0xFFFFFFFF  }
0xc8: {  	_ =	task.clear_ibuf [dreg:s8], $0x2FFFF;
	_ =	strace $0x9FFFFFFF  }
0xc9: {  	(tm) =	ssettm $0x7FFFFFFF  }
tec
execute0_lowered:
.L_overlay_start_1:
0x0: {  	(tag) =	ssettag $0x1  }
0x1: {  	s1 =	rddreg [dreg:$0x0]  }
0x2: {  	s2 =	srdreg.scid;
	s5 =	rddreg [dreg:$0x1]  }
0x3: {  	s0 =	stileid.u32;
	s6 =	rddreg [dreg:$0x2];
	s30 =	simm.s32 $0x980  }
0x4: {  	s31 =	simm.s32 $0x1180;
	s11 =	simm.s32 $0x3980;
	s12 =	simm.s32 $0x4180  }
0x5: {  	s13 =	simm.s32 $0x4980;
	s14 =	simm.s32 $0x5180;
	s15 =	simm.s32 $0x5980  }
0x6: {  	s16 =	simm.s32 $0x6180;
	s17 =	simm.s32 $0x6980;
	s18 =	simm.s32 $0x7180  }
0x7: {  	s19 =	simm.s32 $0x7980;
	s4 =	sand.u32 $0x1, s2;
	s23 =	sshll.u32 s0, $0x1  }
0x8: {  	s20 =	simm.s32 $0x1;
	s2 =	rddreg [dreg:$0x3];
	s3 =	sor.u32 s4, s23  }
0x9: {  	p0 =	slt.u32 s0, $0xC;
	s4 =	ssub.s32 $0x2, s4;
	s7 =	smul.u32 $0x90, s3  }
0xa: {  	s8 =	smul.u32 $0x98, s3;
	s3 =	simm.s32 $0x0;
	s24 =	sshrl.u32 s4, $0x1  }
0xb: {  	s5 =	sadd.s32 $0xC00, s5;
	[smem:$0x7FF] =	sst s3;
	s4 =	ssub.s32 s4, s24  }
0xc: {  	s9 =	sadd.s32 $0xC0, s7;
	_ =	strace $0x80000047;
	[dreg:$0xa] =	wrdreg s30  }
0xd: {  	s7 =	sadd.s32 $0x140, s7;
	s4 =	smax.u32 s4, $0x1;
	[dreg:$0xb] =	wrdreg s31  }
0xe: {  	s9 =	smov.u32 @p0 s8;
	s25 =	sshrl.u32 s7, $0x3;
	s7 =	sshll.u32 s7, $0x5  }
0xf: {  	s8 =	sadd.s32 $0x80, s8;
	p0 =	sgt.u32 s0, $0xB;
	s10 =	sshrl.u32 s9, $0x3  }
0x10: {  	s9 =	sshll.u32 s9, $0x5;
	s7 =	sadd.s32 s6, s7;
	s26 =	sshrl.u32 s8, $0x3  }
0x11: {  	s28 =	sshll.u32 s8, $0x5;
	s10 =	sadd.s32 s5, s10;
	[dreg:$0x7] =	wrdreg s7  }
0x12: {  	s8 =	simm.s32 $0x2180;
	s9 =	sadd.s32 s6, s9;
	[dreg:$0x4] =	wrdreg s10  }
0x13: {  	s29 =	sadd.s32 s6, s28;
	s6 =	simm.s32 $0x180;
	[dreg:$0x5] =	wrdreg s9  }
0x14: {  	v2 =	vlaneseq.u32;
	vm0 =	vmmov $0xffff;
	s7 =	simm.s32 $0x1980;
	s9 =	sadd.s32 s5, s25;
	[dreg:$0x9] =	wrdreg s29  }
0x15: {  	v1 =	vshrl.u32 v2, $0x3;
	v0 =	vand.u32 $0x7, v2;
	v2 =	vor.u32 $0x8, v2;
	s5 =	sadd.s32 s5, s26;
	s10 =	simm.s32 $0x3180;
	[dreg:$0x6] =	wrdreg s9  }
0x16: {  	v1 =	vmul.u32 $0x8, v1;
	vm1 =	vmmov @p0 $0xffff;
	vm2 =	vmmov @!p0 $0xffff;
	[dreg:$0x8] =	wrdreg s5;
	s5 =	simm.s32 $0x2;
	s9 =	simm.s32 $0x2980  }
.LBB2_1:
0x17: {  	s21 =	rddreg [dreg:$0x4]  }
0x18: {  	[tilespmem:s3], [sflag:$0x2] =	stream.linear.gather [hbm4b:s21+s3], $0x80, $0x38;
	[tilespmem:$0xA980] =	vst v63  }
0x19: {  	_ =	swait.ge [sflag:s5], $0x80  }
0x1a: {  	[sflag:s5] =	ssyncset.done $0x0  }
0x1b: {  	[sflag:s5] =	ssyncadd.s32 $0xFFFFFF80  }
0x1c: {  	v3 =	vld [tilespmem:$0x0];
	_ =	sdelay $0x4  }
0x1d: {  	v4 =	vshll.u32 v3, $0x1  }
0x1e: {  	v3 =	vand.u32 $0x7, v3;
	v4 =	vand.u32 $0xFFFFFFF0, v4  }
0x1f: {  	v3 =	vor.u32 v3, v4  }
0x20: {  	v4 =	vperm.xlane v3, v0;
	_ =	sdelay $0x1  }
0x21: {  	v3 =	vperm.xlane v3, v2;
	v4 =	vadd.s32 v1, v4;
	_ =	sdelay $0x1  }
0x22: {  	v3 =	vadd.s32 v1, v3;
	_ =	sdelay $0x2  }
0x23: {  	[tilespmem:s6], [sflag:$0x1] =	stream.indirect_vreg.gather [hbm4b:s1+s3], $0x80, v4, vm0, $0xb8;
	[tilespmem:$0xA980] =	vst v63  }
0x24: {  	s29 =	rddreg [dreg:$0xa]  }
0x25: {  	[tilespmem:s29], [sflag:$0x1] =	stream.indirect_vreg.gather [hbm4b:s1+s3], $0x80, v3, vm0, $0xb8;
	[tilespmem:$0xA980] =	vst v63  }
0x26: {  	v3 =	vld [tilespmem:$0x10];
	_ =	sdelay $0x4  }
0x27: {  	v57 =	vshll.u32 v3, $0x1  }
0x28: {  	v3 =	vand.u32 $0x7, v3;
	v4 =	vand.u32 $0xFFFFFFF0, v57  }
0x29: {  	v3 =	vor.u32 v3, v4  }
0x2a: {  	v4 =	vperm.xlane v3, v0;
	_ =	sdelay $0x1  }
0x2b: {  	v3 =	vperm.xlane v3, v2;
	v4 =	vadd.s32 v1, v4;
	_ =	sdelay $0x1  }
0x2c: {  	v3 =	vadd.s32 v1, v3;
	_ =	sdelay $0x1  }
0x2d: {  	s30 =	rddreg [dreg:$0xb]  }
0x2e: {  	[tilespmem:s30], [sflag:$0x1] =	stream.indirect_vreg.gather [hbm4b:s1+s3], $0x80, v4, vm0, $0xb8;
	[tilespmem:$0xA980] =	vst v63  }
0x2f: {  	_ = 	snop  }
0x30: {  	[tilespmem:s7], [sflag:$0x1] =	stream.indirect_vreg.gather [hbm4b:s1+s3], $0x80, v3, vm0, $0xb8;
	[tilespmem:$0xA980] =	vst v63  }
0x31: {  	v3 =	vld [tilespmem:$0x20];
	_ =	sdelay $0x4  }
0x32: {  	v58 =	vshll.u32 v3, $0x1  }
0x33: {  	v3 =	vand.u32 $0x7, v3;
	v4 =	vand.u32 $0xFFFFFFF0, v58  }
0x34: {  	v3 =	vor.u32 v3, v4  }
0x35: {  	v4 =	vperm.xlane v3, v0;
	_ =	sdelay $0x1  }
0x36: {  	v3 =	vperm.xlane v3, v2;
	v4 =	vadd.s32 v1, v4;
	_ =	sdelay $0x1  }
0x37: {  	v3 =	vadd.s32 v1, v3;
	_ =	sdelay $0x2  }
0x38: {  	[tilespmem:s8], [sflag:$0x1] =	stream.indirect_vreg.gather [hbm4b:s1+s3], $0x80, v4, vm0, $0xb8;
	[tilespmem:$0xA980] =	vst v63  }
0x39: {  	_ = 	snop  }
0x3a: {  	[tilespmem:s9], [sflag:$0x1] =	stream.indirect_vreg.gather [hbm4b:s1+s3], $0x80, v3, vm0, $0xb8;
	[tilespmem:$0xA980] =	vst v63  }
0x3b: {  	v3 =	vld [tilespmem:$0x30];
	_ =	sdelay $0x4  }
0x3c: {  	v59 =	vshll.u32 v3, $0x1  }
0x3d: {  	v3 =	vand.u32 $0x7, v3;
	v4 =	vand.u32 $0xFFFFFFF0, v59  }
0x3e: {  	v3 =	vor.u32 v3, v4  }
0x3f: {  	v4 =	vperm.xlane v3, v0;
	_ =	sdelay $0x1  }
0x40: {  	v3 =	vperm.xlane v3, v2;
	v4 =	vadd.s32 v1, v4;
	_ =	sdelay $0x1  }
0x41: {  	v3 =	vadd.s32 v1, v3;
	_ =	sdelay $0x2  }
0x42: {  	[tilespmem:s10], [sflag:$0x1] =	stream.indirect_vreg.gather [hbm4b:s1+s3], $0x80, v4, vm0, $0xb8;
	[tilespmem:$0xA980] =	vst v63  }
0x43: {  	_ = 	snop  }
0x44: {  	[tilespmem:s11], [sflag:$0x1] =	stream.indirect_vreg.gather [hbm4b:s1+s3], $0x80, v3, vm0, $0xb8;
	[tilespmem:$0xA980] =	vst v63  }
0x45: {  	v3 =	vld [tilespmem:$0x40];
	_ =	sdelay $0x4  }
0x46: {  	v60 =	vshll.u32 v3, $0x1  }
0x47: {  	v3 =	vand.u32 $0x7, v3;
	v4 =	vand.u32 $0xFFFFFFF0, v60  }
0x48: {  	v3 =	vor.u32 v3, v4  }
0x49: {  	v4 =	vperm.xlane v3, v0;
	_ =	sdelay $0x1  }
0x4a: {  	v3 =	vperm.xlane v3, v2;
	v4 =	vadd.s32 v1, v4;
	_ =	sdelay $0x1  }
0x4b: {  	v3 =	vadd.s32 v1, v3;
	_ =	sdelay $0x2  }
0x4c: {  	[tilespmem:s12], [sflag:$0x1] =	stream.indirect_vreg.gather [hbm4b:s1+s3], $0x80, v4, vm0, $0xb8;
	[tilespmem:$0xA980] =	vst v63  }
0x4d: {  	_ = 	snop  }
0x4e: {  	[tilespmem:s13], [sflag:$0x1] =	stream.indirect_vreg.gather [hbm4b:s1+s3], $0x80, v3, vm0, $0xb8;
	[tilespmem:$0xA980] =	vst v63  }
0x4f: {  	v3 =	vld [tilespmem:$0x50];
	_ =	sdelay $0x4  }
0x50: {  	v61 =	vshll.u32 v3, $0x1  }
0x51: {  	v3 =	vand.u32 $0x7, v3;
	v4 =	vand.u32 $0xFFFFFFF0, v61  }
0x52: {  	v3 =	vor.u32 v3, v4  }
0x53: {  	v4 =	vperm.xlane v3, v0;
	_ =	sdelay $0x1  }
0x54: {  	v3 =	vperm.xlane v3, v2;
	v4 =	vadd.s32 v1, v4;
	_ =	sdelay $0x1  }
0x55: {  	v3 =	vadd.s32 v1, v3;
	_ =	sdelay $0x2  }
0x56: {  	[tilespmem:s14], [sflag:$0x1] =	stream.indirect_vreg.gather [hbm4b:s1+s3], $0x80, v4, vm0, $0xb8;
	[tilespmem:$0xA980] =	vst v63  }
0x57: {  	_ = 	snop  }
0x58: {  	[tilespmem:s15], [sflag:$0x1] =	stream.indirect_vreg.gather [hbm4b:s1+s3], $0x80, v3, vm0, $0xb8;
	[tilespmem:$0xA980] =	vst v63  }
0x59: {  	v3 =	vld [tilespmem:$0x60];
	_ =	sdelay $0x4  }
0x5a: {  	v62 =	vshll.u32 v3, $0x1  }
0x5b: {  	v3 =	vand.u32 $0x7, v3;
	v4 =	vand.u32 $0xFFFFFFF0, v62  }
0x5c: {  	v3 =	vor.u32 v3, v4  }
0x5d: {  	v4 =	vperm.xlane v3, v0;
	_ =	sdelay $0x1  }
0x5e: {  	v3 =	vperm.xlane v3, v2;
	v4 =	vadd.s32 v1, v4;
	_ =	sdelay $0x1  }
0x5f: {  	v3 =	vadd.s32 v1, v3;
	_ =	sdelay $0x2  }
0x60: {  	[tilespmem:s16], [sflag:$0x1] =	stream.indirect_vreg.gather [hbm4b:s1+s3], $0x80, v4, vm0, $0xb8;
	[tilespmem:$0xA980] =	vst v63  }
0x61: {  	_ = 	snop  }
0x62: {  	[tilespmem:s17], [sflag:$0x1] =	stream.indirect_vreg.gather [hbm4b:s1+s3], $0x80, v3, vm0, $0xb8;
	[tilespmem:$0xA980] =	vst v63  }
0x63: {  	v3 =	vld [tilespmem:$0x70];
	_ =	sdelay $0x4  }
0x64: {  	v63 =	vshll.u32 v3, $0x1  }
0x65: {  	v3 =	vand.u32 $0x7, v3;
	v4 =	vand.u32 $0xFFFFFFF0, v63  }
0x66: {  	v3 =	vor.u32 v3, v4  }
0x67: {  	v4 =	vperm.xlane v3, v0;
	_ =	sdelay $0x1  }
0x68: {  	v3 =	vperm.xlane v3, v2;
	v4 =	vadd.s32 v1, v4;
	_ =	sdelay $0x1  }
0x69: {  	v3 =	vadd.s32 v1, v3;
	_ =	sdelay $0x2  }
0x6a: {  	[tilespmem:s18], [sflag:$0x1] =	stream.indirect_vreg.gather [hbm4b:s1+s3], $0x80, v4, vm0, $0xb8;
	[tilespmem:$0xA980] =	vst v63  }
0x6b: {  	_ = 	snop  }
0x6c: {  	[tilespmem:s19], [sflag:$0x1] =	stream.indirect_vreg.gather [hbm4b:s1+s3], $0x80, v3, vm0, $0xb8;
	[tilespmem:$0xA980] =	vst v63  }
0x6d: {  	_ =	swait.ge [sflag:s20], $0x8000  }
0x6e: {  	[sflag:s20] =	ssyncset.done $0x0  }
0x6f: {  	s31 =	rddreg [dreg:$0x5];
	[sflag:s20] =	ssyncadd.s32 $0xFFFF8000  }
0x70: {  	[hbm4b:s31+s3] =	stream.linear.scatter [tilespmem:s6], [sflag:$0x2], $0x8000, $0x38;
	[tilespmem:$0xA980] =	vst v63  }
0x71: {  	_ =	swait.ge [sflag:s5], $0x8000  }
0x72: {  	s22 =	simm.s32 @p0 $0x0;
	[sflag:s5] =	ssyncset.done $0x0  }
0x73: {  	s23 =	simm.s32 @p0 $0x100;
	s21 =	rddreg [dreg:$0x6];
	[sflag:s5] =	ssyncadd.s32 $0xFFFF8000  }
0x74: {  	[tilespmem:s23], [sflag:$0x2] =	stream.linear.gather @p0 [hbm4b:s21+s22], $0x10, $0x38;
	[tilespmem:$0xA980] =	vst v63  }
0x75: {  	s21 =	simm.s32 @p0 $0x2  }
0x76: {  	_ =	swait.ge @p0 [sflag:s21], $0x10  }
0x77: {  	[sflag:s21] =	ssyncset.done @p0 $0x0  }
0x78: {  	[sflag:s21] =	ssyncadd.s32 @p0 $0xFFFFFFF0  }
0x79: {  	v3 =	vld @p0 [tilespmem:$0x100];
	_ =	sdelay $0x4  }
0x7a: {  	v4 =	vshll.u32 @p0 v3, $0x1  }
0x7b: {  	v5 =	vlaneseq.u32 @p0;
	v3 =	vand.u32 @p0 $0x7, v3;
	v4 =	vand.u32 @p0 $0xFFFFFFF0, v4  }
0x7c: {  	v6 =	vshrl.u32 @p0 v5, $0x3;
	v3 =	vor.u32 @p0 v3, v4;
	v4 =	vand.u32 @p0 $0x7, v5  }
0x7d: {  	v6 =	vmul.u32 @p0 $0x8, v6;
	v4 =	vperm.xlane @p0 v3, v4  }
0x7e: {  	v5 =	vor.u32 @p0 $0x8, v5  }
0x7f: {  	v3 =	vperm.xlane @p0 v3, v5;
	v4 =	vadd.s32 @p0 v6, v4;
	_ =	sdelay $0x1  }
0x80: {  	v3 =	vadd.s32 @p0 v6, v3;
	_ =	sdelay $0x1  }
0x81: {  	s23 =	simm.s32 @p0 $0x9980  }
0x82: {  	[tilespmem:s23], [sflag:$0x1] =	stream.indirect_vreg.gather @p0 [hbm4b:s1+s22], $0x80, v4, vm1, $0xb8;
	[tilespmem:$0xA980] =	vst v63  }
0x83: {  	s24 =	simm.s32 @p0 $0xA180  }
0x84: {  	[tilespmem:s24], [sflag:$0x1] =	stream.indirect_vreg.gather @p0 [hbm4b:s1+s22], $0x80, v3, vm1, $0xb8;
	[tilespmem:$0xA980] =	vst v63  }
0x85: {  	s24 =	simm.s32 @p0 $0x1  }
0x86: {  	_ =	swait.ge @p0 [sflag:s24], $0x1000  }
0x87: {  	[sflag:s24] =	ssyncset.done @p0 $0x0  }
0x88: {  	s25 =	rddreg [dreg:$0x7];
	[sflag:s24] =	ssyncadd.s32 @p0 $0xFFFFF000  }
0x89: {  	[hbm4b:s25+s22] =	stream.linear.scatter @p0 [tilespmem:s23], [sflag:$0x2], $0x1000, $0x38;
	[tilespmem:$0xA980] =	vst v63  }
0x8a: {  	_ =	swait.ge @p0 [sflag:s21], $0x1000  }
0x8b: {  	s23 =	simm.s32 @!p0 $0x80;
	[sflag:s21] =	ssyncset.done @p0 $0x0  }
0x8c: {  	s22 =	rddreg [dreg:$0x8];
	[sflag:s21] =	ssyncadd.s32 @p0 $0xFFFFF000;
	s21 =	simm.s32 @!p0 $0x0  }
0x8d: {  	[tilespmem:s23], [sflag:$0x2] =	stream.linear.gather @!p0 [hbm4b:s22+s21], $0x18, $0x38;
	[tilespmem:$0xA980] =	vst v63  }
0x8e: {  	s22 =	simm.s32 @!p0 $0x2  }
0x8f: {  	_ =	swait.ge @!p0 [sflag:s22], $0x18  }
0x90: {  	[sflag:s22] =	ssyncset.done @!p0 $0x0  }
0x91: {  	[sflag:s22] =	ssyncadd.s32 @!p0 $0xFFFFFFE8  }
0x92: {  	v3 =	vld @!p0 [tilespmem:$0x80];
	_ =	sdelay $0x4  }
0x93: {  	v4 =	vshll.u32 @!p0 v3, $0x1  }
0x94: {  	v5 =	vlaneseq.u32 @!p0;
	v3 =	vand.u32 @!p0 $0x7, v3;
	v4 =	vand.u32 @!p0 $0xFFFFFFF0, v4  }
0x95: {  	v6 =	vshrl.u32 @!p0 v5, $0x3;
	v3 =	vor.u32 @!p0 v3, v4;
	v4 =	vand.u32 @!p0 $0x7, v5  }
0x96: {  	v6 =	vmul.u32 @!p0 $0x8, v6;
	v7 =	vperm.xlane @!p0 v3, v4  }
0x97: {  	v5 =	vor.u32 @!p0 $0x8, v5  }
0x98: {  	v3 =	vperm.xlane @!p0 v3, v5;
	v7 =	vadd.s32 @!p0 v6, v7;
	_ =	sdelay $0x1  }
0x99: {  	v3 =	vadd.s32 @!p0 v6, v3;
	_ =	sdelay $0x1  }
0x9a: {  	s23 =	simm.s32 @!p0 $0x8180  }
0x9b: {  	[tilespmem:s23], [sflag:$0x1] =	stream.indirect_vreg.gather @!p0 [hbm4b:s1+s21], $0x80, v7, vm2, $0xb8;
	[tilespmem:$0xA980] =	vst v63  }
0x9c: {  	s24 =	simm.s32 @!p0 $0x8980  }
0x9d: {  	[tilespmem:s24], [sflag:$0x1] =	stream.indirect_vreg.gather @!p0 [hbm4b:s1+s21], $0x80, v3, vm2, $0xb8;
	[tilespmem:$0xA980] =	vst v63  }
0x9e: {  	v3 =	vld.msk @!p0 [tilespmem:$0x90], $0xff;
	_ =	sdelay $0x4  }
0x9f: {  	v5 =	vshll.u32 @!p0 v3, $0x1  }
0xa0: {  	v3 =	vand.u32 @!p0 $0x7, v3;
	v5 =	vand.u32 @!p0 $0xFFFFFFF0, v5  }
0xa1: {  	v3 =	vor.u32 @!p0 v3, v5  }
0xa2: {  	v3 =	vperm.xlane @!p0 v3, v4;
	_ =	sdelay $0x1  }
0xa3: {  	v3 =	vadd.s32 @!p0 v6, v3;
	_ =	sdelay $0x3  }
0xa4: {  	s24 =	simm.s32 @!p0 $0x9180  }
0xa5: {  	[tilespmem:s24], [sflag:$0x1] =	stream.indirect_vreg.gather @!p0 [hbm4b:s1+s21], $0x80, v3, vm2, $0xb8;
	[tilespmem:$0xA980] =	vst v63  }
0xa6: {  	s24 =	simm.s32 @!p0 $0x1  }
0xa7: {  	s4 =	sadd.s32 $0xFFFFFFFF, s4;
	_ =	swait.ge @!p0 [sflag:s24], $0x1800  }
0xa8: {  	p1 =	sne.s32 s4, $0x0;
	[sflag:s24] =	ssyncset.done @!p0 $0x0  }
.Ltmp0:
0xa9: {  	s25 =	rddreg [dreg:$0x9];
	[sflag:s24] =	ssyncadd.s32 @!p0 $0xFFFFE800;
	(pc) =	sbr.rel @p1 .LBB2_1-.Ltmp0, $4  }
0xaa: {  	[hbm4b:s25+s21] =	stream.linear.scatter @!p0 [tilespmem:s23], [sflag:$0x2], $0x1800, $0x38;
	[tilespmem:$0xA980] =	vst v63  }
0xab: {  	_ =	swait.ge @!p0 [sflag:s22], $0x1800  }
0xac: {  	[sflag:s22] =	ssyncset.done @!p0 $0x0  }
0xad: {  	[sflag:s22] =	ssyncadd.s32 @!p0 $0xFFFFE800  }
0xae: {  	_ =	sfence.sel $0x180000  }
0xaf: {  	[bflag:$0x0] =	sbarrier.arrive $0xFFFF  }
0xb0: {  	p0 =	sne.s32 s0, $0x0;
	_ =	strace $0x90000047  }
0xb1: {  	s0 =	sadd.s32 @!p0 $0x100000, s2;
	[bflag:$0x2] =	sbarrier.arrive $0xFFFF  }
0xb2: {  	[sflag:s0] =	ssyncadd.tile.s32 @!p0 $0x1;
	_ =	shalt  }
.Lfunc_end2:
_tile_overlayer_lowered:
.L_overlay_start_2:
0xb3: {  	(tag) =	ssettag $0x2  }
0xb4: {  	s0 =	rddreg [dreg:$0x0];
	s2 =	stileid.u32  }
0xb5: {  	s1 =	rddreg [dreg:$0x1];
	p0 =	sne.s32 s2, $0x0  }
0xb6: {  	s3 =	rddreg [dreg:$0x2];
	[bflag:$0x3] =	sbarrier.arrive $0xFFFF;
	s2 =	simm.s32 @!p0 $0x1C02  }
0xb7: {  	[timem:s3], [sflag:s2] =	dma.local @!p0 [hbm:s0], s1  }
0xb8: {  	s0 =	simm.s32 @!p0 $0x2  }
0xb9: {  	_ =	swait.ge @!p0 [sflag:s0], s1  }
0xba: {  	s1 =	ssub.s32 @!p0 $0x0, s1;
	[sflag:s0] =	ssyncset.done @!p0 $0x0  }
0xbb: {  	[sflag:s0] =	ssyncadd.s32 @!p0 s1  }
0xbc: {  	[bflag:$0x3] =	sbarrier.arrive $0xFFFF  }
0xbd: {  	_ =	shalt  }

</sc_bundles>
